<compile_context>
chip_gen: v7x
topology: tpu7x:2x2x1
jax: 0.10.2.dev20260603
libtpu: 0.0.44.dev20260713+nightly
codegen_flags: <defaults>
</compile_context>

<pallas_src>
import functools

import jax
import jax.numpy as jnp
from jax import lax
from jax.experimental import pallas as pl
from jax.experimental.pallas import tpu as pltpu
from jax.experimental.pallas import tpu_sc as plsc

H = 384
WD = 384
N = H * WD
V = 2
NS = 16
L = 16
PTS = N // NS
DUMP = 8192


def _scatter_sc(idx_flat, wf, cols_flat):
    mesh = plsc.VectorSubcoreMesh(core_axis_name="c", subcore_axis_name="s")

    @functools.partial(
        pl.kernel,
        out_type=jax.ShapeDtypeStruct((V * 4 * N,), jnp.float32),
        mesh=mesh,
        scratch_types=[
            pltpu.VMEM((PTS,), jnp.int32),
            pltpu.VMEM((PTS,), jnp.float32),
            pltpu.VMEM((PTS,), jnp.float32),
            pltpu.VMEM((PTS,), jnp.float32),
            pltpu.VMEM((PTS,), jnp.float32),
            pltpu.VMEM((PTS,), jnp.float32),
            pltpu.VMEM_SHARED((N + DUMP,), jnp.float32),
            pltpu.VMEM_SHARED((N + DUMP,), jnp.float32),
            pltpu.VMEM_SHARED((N + DUMP,), jnp.float32),
            pltpu.VMEM_SHARED((N + DUMP,), jnp.float32),
            pltpu.SemaphoreType.DMA,
            pltpu.SemaphoreType.DMA,
            pltpu.SemaphoreType.DMA,
            pltpu.SemaphoreType.DMA,
        ],
    )
    def body(idx_hbm, w_hbm, col_hbm, out_hbm,
             idxv, wv, rv, gv, bv, zbuf, acc_r, acc_g, acc_b, acc_w,
             zsem, lsem, ssem, osem):
        c = lax.axis_index("c")
        s = lax.axis_index("s")
        base = s * PTS
        src = pl.ds(c * N + base, PTS)
        cb = c * 3 * N + base
        accs = (acc_r, acc_g, acc_b, acc_w)

        zero16 = jnp.zeros((L,), jnp.float32)

        def zloop(i, carry):
            zbuf[pl.ds(i * L, L)] = zero16
            return carry

        lax.fori_loop(0, PTS // L, zloop, 0)
        zcopies = [pltpu.async_copy(zbuf, acc.at[pl.ds(base, PTS)], zsem)
                   for acc in accs]
        loads = [pltpu.async_copy(idx_hbm.at[src], idxv, lsem),
                 pltpu.async_copy(w_hbm.at[src], wv, lsem),
                 pltpu.async_copy(col_hbm.at[pl.ds(cb, PTS)], rv, lsem),
                 pltpu.async_copy(col_hbm.at[pl.ds(cb + N, PTS)], gv, lsem),
                 pltpu.async_copy(col_hbm.at[pl.ds(cb + 2 * N, PTS)], bv,
                                  lsem)]
        for cp in loads:
            cp.wait()

        def mloop(i, carry):
            sl = pl.ds(i * L, L)
            w16 = wv[sl]
            rv[sl] = w16 * rv[sl]
            gv[sl] = w16 * gv[sl]
            bv[sl] = w16 * bv[sl]
            return carry

        lax.fori_loop(0, PTS // L, mloop, 0)
        for cp in zcopies:
            cp.wait()
        plsc.subcore_barrier()

        scats = [pltpu.async_copy(rv, acc_r.at[idxv], ssem, add=True),
                 pltpu.async_copy(gv, acc_g.at[idxv], ssem, add=True),
                 pltpu.async_copy(bv, acc_b.at[idxv], ssem, add=True),
                 pltpu.async_copy(wv, acc_w.at[idxv], ssem, add=True)]
        for cp in scats:
            cp.wait()
        plsc.subcore_barrier()

        outs = [pltpu.async_copy(acc.at[pl.ds(base, PTS)],
                                 out_hbm.at[pl.ds((c * 4 + ch) * N + base,
                                                  PTS)], osem)
                for ch, acc in enumerate(accs)]
        for cp in outs:
            cp.wait()

    return body(idx_flat, wf, cols_flat)


_MBLK = 2048


def _merge_tc(partials8, sm):
    def body(sm_ref, p_ref, o_ref):
        sr = p_ref[0:1, :] + p_ref[4:5, :]
        sg = p_ref[1:2, :] + p_ref[5:6, :]
        sb = p_ref[2:3, :] + p_ref[6:7, :]
        sw = p_ref[3:4, :] + p_ref[7:8, :]
        den = sw + jnp.float32(1e-6)
        rows = []
        for o in range(3):
            num = (sm_ref[3 * o + 0] * sr + sm_ref[3 * o + 1] * sg
                   + sm_ref[3 * o + 2] * sb + sm_ref[9 + o] * sw)
            rows.append(num / den + sm_ref[12 + o])
        o_ref[...] = jnp.concatenate(rows, axis=0)

    return pl.pallas_call(
        body,
        grid=(N // _MBLK,),
        in_specs=[
            pl.BlockSpec(memory_space=pltpu.SMEM),
            pl.BlockSpec((8, _MBLK), lambda i: (0, i)),
        ],
        out_specs=pl.BlockSpec((3, _MBLK), lambda i: (0, i)),
        out_shape=jax.ShapeDtypeStruct((3, N), jnp.float32),
    )(sm, partials8)


def kernel(depths, colors, K, src_RTs, src_RTinvs, dst_RTs, dst_RTinvs,
           W_enc, b_enc, W_out, b_out):
    B = depths.shape[0]

    ys, xs = jnp.meshgrid(jnp.arange(H, dtype=jnp.float32),
                          jnp.arange(WD, dtype=jnp.float32), indexing='ij')
    pix = jnp.stack([xs.reshape(-1), ys.reshape(-1),
                     jnp.ones((N,), dtype=jnp.float32)], axis=0)
    fx0 = K[0, 0, 0]
    fy0 = K[0, 1, 1]
    cx0 = K[0, 0, 2]
    cy0 = K[0, 1, 2]
    zero = jnp.float32(0.0)
    one = jnp.float32(1.0)
    Kinv = jnp.stack([
        jnp.stack([one / fx0, zero, -(cx0 / fx0)]),
        jnp.stack([zero, one / fy0, -(cy0 / fy0)]),
        jnp.stack([zero, zero, one]),
    ])[None]
    lins, ws = [], []
    for v in range(V):
        d = depths[:, v, 0].reshape(B, 1, N)
        cam = jnp.einsum('bij,jn->bin', Kinv, pix) * d
        cam_h = jnp.concatenate([cam, jnp.ones((B, 1, N), dtype=jnp.float32)],
                                axis=1)
        world = jnp.einsum('bij,bjn->bin', src_RTinvs[:, v], cam_h)
        cam_dst = jnp.einsum('bij,bjn->bin', dst_RTs[:, 0], world)
        z = cam_dst[:, 2]
        zs = jnp.maximum(z, 1e-4)
        proj = jnp.einsum('bij,bjn->bin', K, cam_dst[:, :3] / zs[:, None, :])
        u = proj[:, 0]
        vv = proj[:, 1]
        ui = jnp.round(u).astype(jnp.int32)
        vi = jnp.round(vv).astype(jnp.int32)
        valid = (ui >= 0) & (ui < WD) & (vi >= 0) & (vi < H) & (z > 1e-4)
        sink = N + jnp.bitwise_and(jnp.arange(N, dtype=jnp.int32), DUMP - 1)
        lins.append(jnp.where(valid, vi * WD + ui, sink[None])[0])
        ws.append(jnp.where(valid, 1.0 / zs, 0.0)[0])

    idx_flat = jnp.stack(lins).reshape(V * N)
    wf = jnp.stack(ws).reshape(V * N)
    cols_flat = colors[0].reshape(V * 3 * N)

    partials = _scatter_sc(idx_flat, wf, cols_flat)

    M = jnp.matmul(W_out, W_enc, precision=lax.Precision.HIGHEST)
    cvec = jnp.matmul(W_out, b_enc, precision=lax.Precision.HIGHEST)
    sm = jnp.concatenate([M.reshape(9), cvec, b_out]).astype(jnp.float32)
    out = _merge_tc(partials.reshape(V * 4, N), sm)
    return out.reshape(1, 3, H, WD)

# --- scband reference (transcript-rebuilt; emitter-appended) ---
"""Pipeline reference for scband-base-module-35287451304527 (READ-ONLY COPY).

The authoritative reference and input builder live on the scoring server;
editing this copy changes nothing except your own understanding.
"""

import jax, jax.numpy as jnp
import numpy as np


def _make_rt(k):
    ang = jax.random.uniform(k, (), minval=-0.05, maxval=0.05)
    c, s = jnp.cos(ang), jnp.sin(ang)
    R = jnp.array([[c, 0.0, s], [0.0, 1.0, 0.0], [-s, 0.0, c]], dtype=jnp.float32)
    t = jax.random.uniform(jax.random.fold_in(k, 1), (3,), minval=-0.1, maxval=0.1)
    RT = jnp.eye(4, dtype=jnp.float32).at[:3, :3].set(R).at[:3, 3].set(t)
    return RT


def setup_inputs(seed: int = 0) -> dict:
    key = jax.random.key(seed)
    ks = jax.random.split(key, 8)
    B, V, H, W, C = 1, 2, 384, 384, 96
    depths = jax.random.uniform(ks[0], (B, V, 1, H, W), dtype=jnp.float32, minval=1.0, maxval=5.0)
    colors = jax.random.uniform(ks[1], (B, V, 3, H, W), dtype=jnp.float32)
    f = 0.8 * W
    K = jnp.array([[[f, 0.0, W / 2.0], [0.0, f, H / 2.0], [0.0, 0.0, 1.0]]], dtype=jnp.float32)
    src_RTs = jnp.stack([_make_rt(ks[2]), _make_rt(ks[3])])[None]
    src_RTinvs = jnp.linalg.inv(src_RTs)
    dst_RTs = jnp.stack([_make_rt(ks[4])])[None]
    dst_RTinvs = jnp.linalg.inv(dst_RTs)
    W_enc = jax.random.normal(ks[5], (C, 3), dtype=jnp.float32) * 0.02
    b_enc = jnp.zeros((C,), dtype=jnp.float32)
    W_out = jax.random.normal(ks[6], (3, C), dtype=jnp.float32) * 0.02
    b_out = jnp.zeros((3,), dtype=jnp.float32)
    return dict(depths=depths, colors=colors, K=K, src_RTs=src_RTs, src_RTinvs=src_RTinvs,
                dst_RTs=dst_RTs, dst_RTinvs=dst_RTinvs, W_enc=W_enc, b_enc=b_enc,
                W_out=W_out, b_out=b_out)


def reference(depths, colors, K, src_RTs, src_RTinvs, dst_RTs, dst_RTinvs, W_enc, b_enc, W_out, b_out):
    B, V, _, H, Wd = depths.shape
    C = W_enc.shape[0]
    N = H * Wd
    # color encoder: per-pixel linear feature extraction
    feats = jnp.einsum('bvchw,fc->bvfhw', colors, W_enc) + b_enc[None, None, :, None, None]
    ys, xs = jnp.meshgrid(jnp.arange(H, dtype=jnp.float32), jnp.arange(Wd, dtype=jnp.float32), indexing='ij')
    pix = jnp.stack([xs.reshape(-1), ys.reshape(-1), jnp.ones((N,), dtype=jnp.float32)], axis=0)
    Kinv = jnp.linalg.inv(K)
    canvas = jnp.zeros((B, N, C), dtype=jnp.float32)
    wsum = jnp.zeros((B, N), dtype=jnp.float32)
    for v in range(V):
        # view_to_world_coord: unproject pixels with depth
        d = depths[:, v, 0].reshape(B, 1, N)
        cam = jnp.einsum('bij,jn->bin', Kinv, pix) * d
        cam_h = jnp.concatenate([cam, jnp.ones((B, 1, N), dtype=jnp.float32)], axis=1)
        world = jnp.einsum('bij,bjn->bin', src_RTinvs[:, v], cam_h)
        # world_to_view: project into destination camera
        cam_dst = jnp.einsum('bij,bjn->bin', dst_RTs[:, 0], world)
        z = cam_dst[:, 2]
        zs = jnp.maximum(z, 1e-4)
        proj = jnp.einsum('bij,bjn->bin', K, cam_dst[:, :3] / zs[:, None, :])
        u = proj[:, 0]
        vv = proj[:, 1]
        ui = jnp.round(u).astype(jnp.int32)
        vi = jnp.round(vv).astype(jnp.int32)
        valid = (ui >= 0) & (ui < Wd) & (vi >= 0) & (vi < H) & (z > 1e-4)
        lin = jnp.where(valid, vi * Wd + ui, 0)
        w = jnp.where(valid, 1.0 / zs, 0.0)
        fv = feats[:, v].reshape(B, C, N).transpose(0, 2, 1) * w[:, :, None]
        def scat(data, ids, wts):
            c = jax.ops.segment_sum(data, ids, num_segments=N)
            s = jax.ops.segment_sum(wts, ids, num_segments=N)
            return c, s
        cv, sv = jax.vmap(scat)(fv, lin, w)
        canvas = canvas + cv
        wsum = wsum + sv
    merged = canvas / (wsum[:, :, None] + 1e-6)
    out = jnp.einsum('bnc,oc->bno', merged, W_out) + b_out
    return out.transpose(0, 2, 1).reshape(B, 3, H, Wd)

if __name__ == "__main__":
    import jax
    _d = setup_inputs()
    print(jax.jit(kernel)(*tuple(_d.values())))

</pallas_src>

<mosaic_0001>
#map = affine_map<(d0, d1) -> (0)>
module attributes {stable_mosaic.version = 14 : i64} {
  func.func @body(%arg0: i32, %arg1: i32, %arg2: memref<294912xi32, #tpu.memory_space<hbm>>, %arg3: memref<294912xf32, #tpu.memory_space<hbm>>, %arg4: memref<884736xf32, #tpu.memory_space<hbm>>, %arg5: memref<1179648xf32, #tpu.memory_space<hbm>>, %arg6: memref<9216xi32, #tpu.memory_space<vmem>>, %arg7: memref<9216xf32, #tpu.memory_space<vmem>>, %arg8: memref<9216xf32, #tpu.memory_space<vmem>>, %arg9: memref<9216xf32, #tpu.memory_space<vmem>>, %arg10: memref<9216xf32, #tpu.memory_space<vmem>>, %arg11: memref<9216xf32, #tpu.memory_space<vmem>>, %arg12: memref<155648xf32, #tpu.memory_space<vmem_shared>>, %arg13: memref<155648xf32, #tpu.memory_space<vmem_shared>>, %arg14: memref<155648xf32, #tpu.memory_space<vmem_shared>>, %arg15: memref<155648xf32, #tpu.memory_space<vmem_shared>>, %arg16: memref<!tpu.dma_semaphore, #tpu.memory_space<semaphore_mem>>, %arg17: memref<!tpu.dma_semaphore, #tpu.memory_space<semaphore_mem>>, %arg18: memref<!tpu.dma_semaphore, #tpu.memory_space<semaphore_mem>>, %arg19: memref<!tpu.dma_semaphore, #tpu.memory_space<semaphore_mem>>) attributes {dimension_semantics = [#tpu.dimension_semantics<core_parallel>, #tpu.dimension_semantics<subcore_parallel>], iteration_bounds = array<i64: 2, 16>, scalar_prefetch = 0 : i64, scratch_operands = 14 : i64, tpu.core_type = #tpu.core_type<sc_vector_subcore>, window_params = [{transform_indices = #map}, {transform_indices = #map}, {transform_indices = #map}, {transform_indices = #map}]} {
    %mul3A = arith.constant 9216 : i32
    %mul3A_0 = arith.muli %arg1, %mul3A : i32
    %mul3A_1 = arith.constant 147456 : i32
    %mul3A_2 = arith.muli %arg0, %mul3A_1 : i32
    %add3A = arith.addi %mul3A_2, %mul3A_0 : i32
    %mul3A_3 = arith.constant 3 : i32
    %mul3A_4 = arith.muli %arg0, %mul3A_3 : i32
    %mul3A_5 = arith.constant 147456 : i32
    %mul3A_6 = arith.muli %mul3A_4, %mul3A_5 : i32
    %add3A_7 = arith.addi %mul3A_6, %mul3A_0 : i32
    %broadcast_in_dim3A = arith.constant 0.000000e+00 : f32
    %broadcast_in_dim3A_8 = vector.broadcast %broadcast_in_dim3A : f32 to vector<16xf32>
    %scan3A = arith.constant 0 : i32
    %scan3A_9 = arith.constant 0 : i32
    %scan3A_10 = arith.constant 576 : i32
    %scan3A_11 = arith.addi %scan3A_9, %scan3A_10 : i32
    %scan3A_12 = arith.constant 1 : i32
    scf.for %scan3A_119 = %scan3A_9 to %scan3A_11 step %scan3A_12  : i32 {
      %mul3A_120 = arith.constant 16 : i32
      %mul3A_121 = arith.muli %scan3A_119, %mul3A_120 : i32
      %swap3A = arith.index_cast %mul3A_121 : i32 to index
      %swap3A_122 = tpu.vector_load %arg11[%swap3A] {strides = array<i32>} : memref<9216xf32, #tpu.memory_space<vmem>>, vector<16xf32>,
      %swap3A_123 = vector.shape_cast %swap3A_122 : vector<16xf32> to vector<16xf32>
      %swap3A_124 = vector.shape_cast %broadcast_in_dim3A_8 : vector<16xf32> to vector<16xf32>
      tpu.vector_store %arg11[%swap3A], %swap3A_124 {strides = array<i32>} : memref<9216xf32, #tpu.memory_space<vmem>>, vector<16xf32>,
    }
    %scan3A_13 = arith.constant 576 : i32
    %dma_start3A = tpu.memref_slice %arg12[%mul3A_0] : memref<155648xf32, #tpu.memory_space<vmem_shared>> -> memref<9216xf32, #tpu.memory_space<vmem_shared>>
    %dma_start3A_14 = tpu.memref_slice %arg12[%mul3A_0] : memref<155648xf32, #tpu.memory_space<vmem_shared>> -> memref<9216xf32, #tpu.memory_space<vmem_shared>>
    tpu.enqueue_dma source(%arg11 : memref<9216xf32, #tpu.memory_space<vmem>>) target(%dma_start3A_14 : memref<9216xf32, #tpu.memory_space<vmem_shared>>) target_semaphore(%arg16 : memref<!tpu.dma_semaphore, #tpu.memory_space<semaphore_mem>>)
    %dma_start3A_15 = tpu.memref_slice %arg13[%mul3A_0] : memref<155648xf32, #tpu.memory_space<vmem_shared>> -> memref<9216xf32, #tpu.memory_space<vmem_shared>>
    %dma_start3A_16 = tpu.memref_slice %arg13[%mul3A_0] : memref<155648xf32, #tpu.memory_space<vmem_shared>> -> memref<9216xf32, #tpu.memory_space<vmem_shared>>
    tpu.enqueue_dma source(%arg11 : memref<9216xf32, #tpu.memory_space<vmem>>) target(%dma_start3A_16 : memref<9216xf32, #tpu.memory_space<vmem_shared>>) target_semaphore(%arg16 : memref<!tpu.dma_semaphore, #tpu.memory_space<semaphore_mem>>)
    %dma_start3A_17 = tpu.memref_slice %arg14[%mul3A_0] : memref<155648xf32, #tpu.memory_space<vmem_shared>> -> memref<9216xf32, #tpu.memory_space<vmem_shared>>
    %dma_start3A_18 = tpu.memref_slice %arg14[%mul3A_0] : memref<155648xf32, #tpu.memory_space<vmem_shared>> -> memref<9216xf32, #tpu.memory_space<vmem_shared>>
    tpu.enqueue_dma source(%arg11 : memref<9216xf32, #tpu.memory_space<vmem>>) target(%dma_start3A_18 : memref<9216xf32, #tpu.memory_space<vmem_shared>>) target_semaphore(%arg16 : memref<!tpu.dma_semaphore, #tpu.memory_space<semaphore_mem>>)
    %dma_start3A_19 = tpu.memref_slice %arg15[%mul3A_0] : memref<155648xf32, #tpu.memory_space<vmem_shared>> -> memref<9216xf32, #tpu.memory_space<vmem_shared>>
    %dma_start3A_20 = tpu.memref_slice %arg15[%mul3A_0] : memref<155648xf32, #tpu.memory_space<vmem_shared>> -> memref<9216xf32, #tpu.memory_space<vmem_shared>>
    tpu.enqueue_dma source(%arg11 : memref<9216xf32, #tpu.memory_space<vmem>>) target(%dma_start3A_20 : memref<9216xf32, #tpu.memory_space<vmem_shared>>) target_semaphore(%arg16 : memref<!tpu.dma_semaphore, #tpu.memory_space<semaphore_mem>>)
    %dma_start3A_21 = tpu.memref_slice %arg2[%add3A] : memref<294912xi32, #tpu.memory_space<hbm>> -> memref<9216xi32, #tpu.memory_space<hbm>>
    %dma_start3A_22 = tpu.memref_slice %arg2[%add3A] : memref<294912xi32, #tpu.memory_space<hbm>> -> memref<9216xi32, #tpu.memory_space<hbm>>
    tpu.enqueue_dma source(%dma_start3A_22 : memref<9216xi32, #tpu.memory_space<hbm>>) target(%arg6 : memref<9216xi32, #tpu.memory_space<vmem>>) target_semaphore(%arg17 : memref<!tpu.dma_semaphore, #tpu.memory_space<semaphore_mem>>)
    %dma_start3A_23 = tpu.memref_slice %arg3[%add3A] : memref<294912xf32, #tpu.memory_space<hbm>> -> memref<9216xf32, #tpu.memory_space<hbm>>
    %dma_start3A_24 = tpu.memref_slice %arg3[%add3A] : memref<294912xf32, #tpu.memory_space<hbm>> -> memref<9216xf32, #tpu.memory_space<hbm>>
    tpu.enqueue_dma source(%dma_start3A_24 : memref<9216xf32, #tpu.memory_space<hbm>>) target(%arg7 : memref<9216xf32, #tpu.memory_space<vmem>>) target_semaphore(%arg17 : memref<!tpu.dma_semaphore, #tpu.memory_space<semaphore_mem>>)
    %dma_start3A_25 = tpu.memref_slice %arg4[%add3A_7] : memref<884736xf32, #tpu.memory_space<hbm>> -> memref<9216xf32, #tpu.memory_space<hbm>>
    %dma_start3A_26 = tpu.memref_slice %arg4[%add3A_7] : memref<884736xf32, #tpu.memory_space<hbm>> -> memref<9216xf32, #tpu.memory_space<hbm>>
    tpu.enqueue_dma source(%dma_start3A_26 : memref<9216xf32, #tpu.memory_space<hbm>>) target(%arg8 : memref<9216xf32, #tpu.memory_space<vmem>>) target_semaphore(%arg17 : memref<!tpu.dma_semaphore, #tpu.memory_space<semaphore_mem>>)
    %add3A_27 = arith.constant 147456 : i32
    %add3A_28 = arith.addi %add3A_7, %add3A_27 : i32
    %dma_start3A_29 = tpu.memref_slice %arg4[%add3A_28] : memref<884736xf32, #tpu.memory_space<hbm>> -> memref<9216xf32, #tpu.memory_space<hbm>>
    %dma_start3A_30 = tpu.memref_slice %arg4[%add3A_28] : memref<884736xf32, #tpu.memory_space<hbm>> -> memref<9216xf32, #tpu.memory_space<hbm>>
    tpu.enqueue_dma source(%dma_start3A_30 : memref<9216xf32, #tpu.memory_space<hbm>>) target(%arg9 : memref<9216xf32, #tpu.memory_space<vmem>>) target_semaphore(%arg17 : memref<!tpu.dma_semaphore, #tpu.memory_space<semaphore_mem>>)
    %add3A_31 = arith.constant 294912 : i32
    %add3A_32 = arith.addi %add3A_7, %add3A_31 : i32
    %dma_start3A_33 = tpu.memref_slice %arg4[%add3A_32] : memref<884736xf32, #tpu.memory_space<hbm>> -> memref<9216xf32, #tpu.memory_space<hbm>>
    %dma_start3A_34 = tpu.memref_slice %arg4[%add3A_32] : memref<884736xf32, #tpu.memory_space<hbm>> -> memref<9216xf32, #tpu.memory_space<hbm>>
    tpu.enqueue_dma source(%dma_start3A_34 : memref<9216xf32, #tpu.memory_space<hbm>>) target(%arg10 : memref<9216xf32, #tpu.memory_space<vmem>>) target_semaphore(%arg17 : memref<!tpu.dma_semaphore, #tpu.memory_space<semaphore_mem>>)
    %dma_wait3A = tpu.memref_slice %arg2[%add3A] : memref<294912xi32, #tpu.memory_space<hbm>> -> memref<9216xi32, #tpu.memory_space<hbm>>
    %dma_wait3A_35 = tpu.memref_slice %arg2[%add3A] : memref<294912xi32, #tpu.memory_space<hbm>> -> memref<9216xi32, #tpu.memory_space<hbm>>
    tpu.wait_dma2 semaphore(%arg17 : memref<!tpu.dma_semaphore, #tpu.memory_space<semaphore_mem>>) src(%dma_wait3A_35 : memref<9216xi32, #tpu.memory_space<hbm>>) dst(%arg6 : memref<9216xi32, #tpu.memory_space<vmem>>)
    %dma_wait3A_36 = tpu.memref_slice %arg3[%add3A] : memref<294912xf32, #tpu.memory_space<hbm>> -> memref<9216xf32, #tpu.memory_space<hbm>>
    %dma_wait3A_37 = tpu.memref_slice %arg3[%add3A] : memref<294912xf32, #tpu.memory_space<hbm>> -> memref<9216xf32, #tpu.memory_space<hbm>>
    tpu.wait_dma2 semaphore(%arg17 : memref<!tpu.dma_semaphore, #tpu.memory_space<semaphore_mem>>) src(%dma_wait3A_37 : memref<9216xf32, #tpu.memory_space<hbm>>) dst(%arg7 : memref<9216xf32, #tpu.memory_space<vmem>>)
    %dma_wait3A_38 = tpu.memref_slice %arg4[%add3A_7] : memref<884736xf32, #tpu.memory_space<hbm>> -> memref<9216xf32, #tpu.memory_space<hbm>>
    %dma_wait3A_39 = tpu.memref_slice %arg4[%add3A_7] : memref<884736xf32, #tpu.memory_space<hbm>> -> memref<9216xf32, #tpu.memory_space<hbm>>
    tpu.wait_dma2 semaphore(%arg17 : memref<!tpu.dma_semaphore, #tpu.memory_space<semaphore_mem>>) src(%dma_wait3A_39 : memref<9216xf32, #tpu.memory_space<hbm>>) dst(%arg8 : memref<9216xf32, #tpu.memory_space<vmem>>)
    %dma_wait3A_40 = tpu.memref_slice %arg4[%add3A_28] : memref<884736xf32, #tpu.memory_space<hbm>> -> memref<9216xf32, #tpu.memory_space<hbm>>
    %dma_wait3A_41 = tpu.memref_slice %arg4[%add3A_28] : memref<884736xf32, #tpu.memory_space<hbm>> -> memref<9216xf32, #tpu.memory_space<hbm>>
    tpu.wait_dma2 semaphore(%arg17 : memref<!tpu.dma_semaphore, #tpu.memory_space<semaphore_mem>>) src(%dma_wait3A_41 : memref<9216xf32, #tpu.memory_space<hbm>>) dst(%arg9 : memref<9216xf32, #tpu.memory_space<vmem>>)
    %dma_wait3A_42 = tpu.memref_slice %arg4[%add3A_32] : memref<884736xf32, #tpu.memory_space<hbm>> -> memref<9216xf32, #tpu.memory_space<hbm>>
    %dma_wait3A_43 = tpu.memref_slice %arg4[%add3A_32] : memref<884736xf32, #tpu.memory_space<hbm>> -> memref<9216xf32, #tpu.memory_space<hbm>>
    tpu.wait_dma2 semaphore(%arg17 : memref<!tpu.dma_semaphore, #tpu.memory_space<semaphore_mem>>) src(%dma_wait3A_43 : memref<9216xf32, #tpu.memory_space<hbm>>) dst(%arg10 : memref<9216xf32, #tpu.memory_space<vmem>>)
    %scan3A_44 = arith.constant 0 : i32
    %scan3A_45 = arith.constant 0 : i32
    %scan3A_46 = arith.constant 576 : i32
    %scan3A_47 = arith.addi %scan3A_45, %scan3A_46 : i32
    %scan3A_48 = arith.constant 1 : i32
    scf.for %scan3A_119 = %scan3A_45 to %scan3A_47 step %scan3A_48  : i32 {
      %mul3A_120 = arith.constant 16 : i32
      %mul3A_121 = arith.muli %scan3A_119, %mul3A_120 : i32
      %get3A = arith.index_cast %mul3A_121 : i32 to index
      %get3A_122 = tpu.vector_load %arg7[%get3A] {strides = array<i32>} : memref<9216xf32, #tpu.memory_space<vmem>>, vector<16xf32>,
      %get3A_123 = vector.shape_cast %get3A_122 : vector<16xf32> to vector<16xf32>
      %get3A_124 = arith.index_cast %mul3A_121 : i32 to index
      %get3A_125 = tpu.vector_load %arg8[%get3A_124] {strides = array<i32>} : memref<9216xf32, #tpu.memory_space<vmem>>, vector<16xf32>,
      %get3A_126 = vector.shape_cast %get3A_125 : vector<16xf32> to vector<16xf32>
      %mul3A_127 = arith.mulf %get3A_123, %get3A_126 : vector<16xf32>
      %swap3A = arith.index_cast %mul3A_121 : i32 to index
      %swap3A_128 = tpu.vector_load %arg8[%swap3A] {strides = array<i32>} : memref<9216xf32, #tpu.memory_space<vmem>>, vector<16xf32>,
      %swap3A_129 = vector.shape_cast %swap3A_128 : vector<16xf32> to vector<16xf32>
      %swap3A_130 = vector.shape_cast %mul3A_127 : vector<16xf32> to vector<16xf32>
      tpu.vector_store %arg8[%swap3A], %swap3A_130 {strides = array<i32>} : memref<9216xf32, #tpu.memory_space<vmem>>, vector<16xf32>,
      %get3A_131 = arith.index_cast %mul3A_121 : i32 to index
      %get3A_132 = tpu.vector_load %arg9[%get3A_131] {strides = array<i32>} : memref<9216xf32, #tpu.memory_space<vmem>>, vector<16xf32>,
      %get3A_133 = vector.shape_cast %get3A_132 : vector<16xf32> to vector<16xf32>
      %mul3A_134 = arith.mulf %get3A_123, %get3A_133 : vector<16xf32>
      %swap3A_135 = arith.index_cast %mul3A_121 : i32 to index
      %swap3A_136 = tpu.vector_load %arg9[%swap3A_135] {strides = array<i32>} : memref<9216xf32, #tpu.memory_space<vmem>>, vector<16xf32>,
      %swap3A_137 = vector.shape_cast %swap3A_136 : vector<16xf32> to vector<16xf32>
      %swap3A_138 = vector.shape_cast %mul3A_134 : vector<16xf32> to vector<16xf32>
      tpu.vector_store %arg9[%swap3A_135], %swap3A_138 {strides = array<i32>} : memref<9216xf32, #tpu.memory_space<vmem>>, vector<16xf32>,
      %get3A_139 = arith.index_cast %mul3A_121 : i32 to index
      %get3A_140 = tpu.vector_load %arg10[%get3A_139] {strides = array<i32>} : memref<9216xf32, #tpu.memory_space<vmem>>, vector<16xf32>,
      %get3A_141 = vector.shape_cast %get3A_140 : vector<16xf32> to vector<16xf32>
      %mul3A_142 = arith.mulf %get3A_123, %get3A_141 : vector<16xf32>
      %swap3A_143 = arith.index_cast %mul3A_121 : i32 to index
      %swap3A_144 = tpu.vector_load %arg10[%swap3A_143] {strides = array<i32>} : memref<9216xf32, #tpu.memory_space<vmem>>, vector<16xf32>,
      %swap3A_145 = vector.shape_cast %swap3A_144 : vector<16xf32> to vector<16xf32>
      %swap3A_146 = vector.shape_cast %mul3A_142 : vector<16xf32> to vector<16xf32>
      tpu.vector_store %arg10[%swap3A_143], %swap3A_146 {strides = array<i32>} : memref<9216xf32, #tpu.memory_space<vmem>>, vector<16xf32>,
    }
    %scan3A_49 = arith.constant 576 : i32
    %dma_wait3A_50 = tpu.memref_slice %arg12[%mul3A_0] : memref<155648xf32, #tpu.memory_space<vmem_shared>> -> memref<9216xf32, #tpu.memory_space<vmem_shared>>
    %dma_wait3A_51 = tpu.memref_slice %arg12[%mul3A_0] : memref<155648xf32, #tpu.memory_space<vmem_shared>> -> memref<9216xf32, #tpu.memory_space<vmem_shared>>
    tpu.wait_dma2 semaphore(%arg16 : memref<!tpu.dma_semaphore, #tpu.memory_space<semaphore_mem>>) src(%arg11 : memref<9216xf32, #tpu.memory_space<vmem>>) dst(%dma_wait3A_51 : memref<9216xf32, #tpu.memory_space<vmem_shared>>)
    %dma_wait3A_52 = tpu.memref_slice %arg13[%mul3A_0] : memref<155648xf32, #tpu.memory_space<vmem_shared>> -> memref<9216xf32, #tpu.memory_space<vmem_shared>>
    %dma_wait3A_53 = tpu.memref_slice %arg13[%mul3A_0] : memref<155648xf32, #tpu.memory_space<vmem_shared>> -> memref<9216xf32, #tpu.memory_space<vmem_shared>>
    tpu.wait_dma2 semaphore(%arg16 : memref<!tpu.dma_semaphore, #tpu.memory_space<semaphore_mem>>) src(%arg11 : memref<9216xf32, #tpu.memory_space<vmem>>) dst(%dma_wait3A_53 : memref<9216xf32, #tpu.memory_space<vmem_shared>>)
    %dma_wait3A_54 = tpu.memref_slice %arg14[%mul3A_0] : memref<155648xf32, #tpu.memory_space<vmem_shared>> -> memref<9216xf32, #tpu.memory_space<vmem_shared>>
    %dma_wait3A_55 = tpu.memref_slice %arg14[%mul3A_0] : memref<155648xf32, #tpu.memory_space<vmem_shared>> -> memref<9216xf32, #tpu.memory_space<vmem_shared>>
    tpu.wait_dma2 semaphore(%arg16 : memref<!tpu.dma_semaphore, #tpu.memory_space<semaphore_mem>>) src(%arg11 : memref<9216xf32, #tpu.memory_space<vmem>>) dst(%dma_wait3A_55 : memref<9216xf32, #tpu.memory_space<vmem_shared>>)
    %dma_wait3A_56 = tpu.memref_slice %arg15[%mul3A_0] : memref<155648xf32, #tpu.memory_space<vmem_shared>> -> memref<9216xf32, #tpu.memory_space<vmem_shared>>
    %dma_wait3A_57 = tpu.memref_slice %arg15[%mul3A_0] : memref<155648xf32, #tpu.memory_space<vmem_shared>> -> memref<9216xf32, #tpu.memory_space<vmem_shared>>
    tpu.wait_dma2 semaphore(%arg16 : memref<!tpu.dma_semaphore, #tpu.memory_space<semaphore_mem>>) src(%arg11 : memref<9216xf32, #tpu.memory_space<vmem>>) dst(%dma_wait3A_57 : memref<9216xf32, #tpu.memory_space<vmem_shared>>)
    %barrier3A = arith.constant 0 : index
    tpu.barrier barrier_id(%barrier3A)
    %dma_start3A_58 = arith.constant 0 : i32
    %dma_start3A_59 = tpu.memref_slice %arg12[%dma_start3A_58] : memref<155648xf32, #tpu.memory_space<vmem_shared>> -> memref<155648xf32, #tpu.memory_space<vmem_shared>>
    tpu.enqueue_indirect_dma source(%arg8 : memref<9216xf32, #tpu.memory_space<vmem>>) target(%dma_start3A_59 : memref<155648xf32, #tpu.memory_space<vmem_shared>>) offsets(%arg6 : memref<9216xi32, #tpu.memory_space<vmem>>) semaphore(%arg18 : memref<!tpu.dma_semaphore, #tpu.memory_space<semaphore_mem>>) {add = true}
    %dma_start3A_60 = arith.constant 0 : i32
    %dma_start3A_61 = tpu.memref_slice %arg13[%dma_start3A_60] : memref<155648xf32, #tpu.memory_space<vmem_shared>> -> memref<155648xf32, #tpu.memory_space<vmem_shared>>
    tpu.enqueue_indirect_dma source(%arg9 : memref<9216xf32, #tpu.memory_space<vmem>>) target(%dma_start3A_61 : memref<155648xf32, #tpu.memory_space<vmem_shared>>) offsets(%arg6 : memref<9216xi32, #tpu.memory_space<vmem>>) semaphore(%arg18 : memref<!tpu.dma_semaphore, #tpu.memory_space<semaphore_mem>>) {add = true}
    %dma_start3A_62 = arith.constant 0 : i32
    %dma_start3A_63 = tpu.memref_slice %arg14[%dma_start3A_62] : memref<155648xf32, #tpu.memory_space<vmem_shared>> -> memref<155648xf32, #tpu.memory_space<vmem_shared>>
    tpu.enqueue_indirect_dma source(%arg10 : memref<9216xf32, #tpu.memory_space<vmem>>) target(%dma_start3A_63 : memref<155648xf32, #tpu.memory_space<vmem_shared>>) offsets(%arg6 : memref<9216xi32, #tpu.memory_space<vmem>>) semaphore(%arg18 : memref<!tpu.dma_semaphore, #tpu.memory_space<semaphore_mem>>) {add = true}
    %dma_start3A_64 = arith.constant 0 : i32
    %dma_start3A_65 = tpu.memref_slice %arg15[%dma_start3A_64] : memref<155648xf32, #tpu.memory_space<vmem_shared>> -> memref<155648xf32, #tpu.memory_space<vmem_shared>>
    tpu.enqueue_indirect_dma source(%arg7 : memref<9216xf32, #tpu.memory_space<vmem>>) target(%dma_start3A_65 : memref<155648xf32, #tpu.memory_space<vmem_shared>>) offsets(%arg6 : memref<9216xi32, #tpu.memory_space<vmem>>) semaphore(%arg18 : memref<!tpu.dma_semaphore, #tpu.memory_space<semaphore_mem>>) {add = true}
    %dma_wait3A_66 = arith.constant 0 : i32
    %dma_wait3A_67 = tpu.memref_slice %arg12[%dma_wait3A_66] : memref<155648xf32, #tpu.memory_space<vmem_shared>> -> memref<155648xf32, #tpu.memory_space<vmem_shared>>
    tpu.wait_indirect_dma semaphore(%arg18 : memref<!tpu.dma_semaphore, #tpu.memory_space<semaphore_mem>>) src(%arg8 : memref<9216xf32, #tpu.memory_space<vmem>>) dst(%dma_wait3A_67 : memref<155648xf32, #tpu.memory_space<vmem_shared>>)
    %dma_wait3A_68 = arith.constant 0 : i32
    %dma_wait3A_69 = tpu.memref_slice %arg13[%dma_wait3A_68] : memref<155648xf32, #tpu.memory_space<vmem_shared>> -> memref<155648xf32, #tpu.memory_space<vmem_shared>>
    tpu.wait_indirect_dma semaphore(%arg18 : memref<!tpu.dma_semaphore, #tpu.memory_space<semaphore_mem>>) src(%arg9 : memref<9216xf32, #tpu.memory_space<vmem>>) dst(%dma_wait3A_69 : memref<155648xf32, #tpu.memory_space<vmem_shared>>)
    %dma_wait3A_70 = arith.constant 0 : i32
    %dma_wait3A_71 = tpu.memref_slice %arg14[%dma_wait3A_70] : memref<155648xf32, #tpu.memory_space<vmem_shared>> -> memref<155648xf32, #tpu.memory_space<vmem_shared>>
    tpu.wait_indirect_dma semaphore(%arg18 : memref<!tpu.dma_semaphore, #tpu.memory_space<semaphore_mem>>) src(%arg10 : memref<9216xf32, #tpu.memory_space<vmem>>) dst(%dma_wait3A_71 : memref<155648xf32, #tpu.memory_space<vmem_shared>>)
    %dma_wait3A_72 = arith.constant 0 : i32
    %dma_wait3A_73 = tpu.memref_slice %arg15[%dma_wait3A_72] : memref<155648xf32, #tpu.memory_space<vmem_shared>> -> memref<155648xf32, #tpu.memory_space<vmem_shared>>
    tpu.wait_indirect_dma semaphore(%arg18 : memref<!tpu.dma_semaphore, #tpu.memory_space<semaphore_mem>>) src(%arg7 : memref<9216xf32, #tpu.memory_space<vmem>>) dst(%dma_wait3A_73 : memref<155648xf32, #tpu.memory_space<vmem_shared>>)
    %barrier3A_74 = arith.constant 0 : index
    tpu.barrier barrier_id(%barrier3A_74)
    %mul3A_75 = arith.constant 4 : i32
    %mul3A_76 = arith.muli %arg0, %mul3A_75 : i32
    %add3A_77 = arith.constant 0 : i32
    %add3A_78 = arith.addi %mul3A_76, %add3A_77 : i32
    %mul3A_79 = arith.constant 147456 : i32
    %mul3A_80 = arith.muli %add3A_78, %mul3A_79 : i32
    %add3A_81 = arith.addi %mul3A_80, %mul3A_0 : i32
    %dma_start3A_82 = tpu.memref_slice %arg5[%add3A_81] : memref<1179648xf32, #tpu.memory_space<hbm>> -> memref<9216xf32, #tpu.memory_space<hbm>>
    %dma_start3A_83 = tpu.memref_slice %arg12[%mul3A_0] : memref<155648xf32, #tpu.memory_space<vmem_shared>> -> memref<9216xf32, #tpu.memory_space<vmem_shared>>
    tpu.enqueue_dma source(%dma_start3A_83 : memref<9216xf32, #tpu.memory_space<vmem_shared>>) target(%dma_start3A_82 : memref<9216xf32, #tpu.memory_space<hbm>>) target_semaphore(%arg19 : memref<!tpu.dma_semaphore, #tpu.memory_space<semaphore_mem>>)
    %mul3A_84 = arith.constant 4 : i32
    %mul3A_85 = arith.muli %arg0, %mul3A_84 : i32
    %add3A_86 = arith.constant 1 : i32
    %add3A_87 = arith.addi %mul3A_85, %add3A_86 : i32
    %mul3A_88 = arith.constant 147456 : i32
    %mul3A_89 = arith.muli %add3A_87, %mul3A_88 : i32
    %add3A_90 = arith.addi %mul3A_89, %mul3A_0 : i32
    %dma_start3A_91 = tpu.memref_slice %arg5[%add3A_90] : memref<1179648xf32, #tpu.memory_space<hbm>> -> memref<9216xf32, #tpu.memory_space<hbm>>
    %dma_start3A_92 = tpu.memref_slice %arg13[%mul3A_0] : memref<155648xf32, #tpu.memory_space<vmem_shared>> -> memref<9216xf32, #tpu.memory_space<vmem_shared>>
    tpu.enqueue_dma source(%dma_start3A_92 : memref<9216xf32, #tpu.memory_space<vmem_shared>>) target(%dma_start3A_91 : memref<9216xf32, #tpu.memory_space<hbm>>) target_semaphore(%arg19 : memref<!tpu.dma_semaphore, #tpu.memory_space<semaphore_mem>>)
    %mul3A_93 = arith.constant 4 : i32
    %mul3A_94 = arith.muli %arg0, %mul3A_93 : i32
    %add3A_95 = arith.constant 2 : i32
    %add3A_96 = arith.addi %mul3A_94, %add3A_95 : i32
    %mul3A_97 = arith.constant 147456 : i32
    %mul3A_98 = arith.muli %add3A_96, %mul3A_97 : i32
    %add3A_99 = arith.addi %mul3A_98, %mul3A_0 : i32
    %dma_start3A_100 = tpu.memref_slice %arg5[%add3A_99] : memref<1179648xf32, #tpu.memory_space<hbm>> -> memref<9216xf32, #tpu.memory_space<hbm>>
    %dma_start3A_101 = tpu.memref_slice %arg14[%mul3A_0] : memref<155648xf32, #tpu.memory_space<vmem_shared>> -> memref<9216xf32, #tpu.memory_space<vmem_shared>>
    tpu.enqueue_dma source(%dma_start3A_101 : memref<9216xf32, #tpu.memory_space<vmem_shared>>) target(%dma_start3A_100 : memref<9216xf32, #tpu.memory_space<hbm>>) target_semaphore(%arg19 : memref<!tpu.dma_semaphore, #tpu.memory_space<semaphore_mem>>)
    %mul3A_102 = arith.constant 4 : i32
    %mul3A_103 = arith.muli %arg0, %mul3A_102 : i32
    %add3A_104 = arith.constant 3 : i32
    %add3A_105 = arith.addi %mul3A_103, %add3A_104 : i32
    %mul3A_106 = arith.constant 147456 : i32
    %mul3A_107 = arith.muli %add3A_105, %mul3A_106 : i32
    %add3A_108 = arith.addi %mul3A_107, %mul3A_0 : i32
    %dma_start3A_109 = tpu.memref_slice %arg5[%add3A_108] : memref<1179648xf32, #tpu.memory_space<hbm>> -> memref<9216xf32, #tpu.memory_space<hbm>>
    %dma_start3A_110 = tpu.memref_slice %arg15[%mul3A_0] : memref<155648xf32, #tpu.memory_space<vmem_shared>> -> memref<9216xf32, #tpu.memory_space<vmem_shared>>
    tpu.enqueue_dma source(%dma_start3A_110 : memref<9216xf32, #tpu.memory_space<vmem_shared>>) target(%dma_start3A_109 : memref<9216xf32, #tpu.memory_space<hbm>>) target_semaphore(%arg19 : memref<!tpu.dma_semaphore, #tpu.memory_space<semaphore_mem>>)
    %dma_wait3A_111 = tpu.memref_slice %arg5[%add3A_81] : memref<1179648xf32, #tpu.memory_space<hbm>> -> memref<9216xf32, #tpu.memory_space<hbm>>
    %dma_wait3A_112 = tpu.memref_slice %arg12[%mul3A_0] : memref<155648xf32, #tpu.memory_space<vmem_shared>> -> memref<9216xf32, #tpu.memory_space<vmem_shared>>
    tpu.wait_dma2 semaphore(%arg19 : memref<!tpu.dma_semaphore, #tpu.memory_space<semaphore_mem>>) src(%dma_wait3A_112 : memref<9216xf32, #tpu.memory_space<vmem_shared>>) dst(%dma_wait3A_111 : memref<9216xf32, #tpu.memory_space<hbm>>)
    %dma_wait3A_113 = tpu.memref_slice %arg5[%add3A_90] : memref<1179648xf32, #tpu.memory_space<hbm>> -> memref<9216xf32, #tpu.memory_space<hbm>>
    %dma_wait3A_114 = tpu.memref_slice %arg13[%mul3A_0] : memref<155648xf32, #tpu.memory_space<vmem_shared>> -> memref<9216xf32, #tpu.memory_space<vmem_shared>>
    tpu.wait_dma2 semaphore(%arg19 : memref<!tpu.dma_semaphore, #tpu.memory_space<semaphore_mem>>) src(%dma_wait3A_114 : memref<9216xf32, #tpu.memory_space<vmem_shared>>) dst(%dma_wait3A_113 : memref<9216xf32, #tpu.memory_space<hbm>>)
    %dma_wait3A_115 = tpu.memref_slice %arg5[%add3A_99] : memref<1179648xf32, #tpu.memory_space<hbm>> -> memref<9216xf32, #tpu.memory_space<hbm>>
    %dma_wait3A_116 = tpu.memref_slice %arg14[%mul3A_0] : memref<155648xf32, #tpu.memory_space<vmem_shared>> -> memref<9216xf32, #tpu.memory_space<vmem_shared>>
    tpu.wait_dma2 semaphore(%arg19 : memref<!tpu.dma_semaphore, #tpu.memory_space<semaphore_mem>>) src(%dma_wait3A_116 : memref<9216xf32, #tpu.memory_space<vmem_shared>>) dst(%dma_wait3A_115 : memref<9216xf32, #tpu.memory_space<hbm>>)
    %dma_wait3A_117 = tpu.memref_slice %arg5[%add3A_108] : memref<1179648xf32, #tpu.memory_space<hbm>> -> memref<9216xf32, #tpu.memory_space<hbm>>
    %dma_wait3A_118 = tpu.memref_slice %arg15[%mul3A_0] : memref<155648xf32, #tpu.memory_space<vmem_shared>> -> memref<9216xf32, #tpu.memory_space<vmem_shared>>
    tpu.wait_dma2 semaphore(%arg19 : memref<!tpu.dma_semaphore, #tpu.memory_space<semaphore_mem>>) src(%dma_wait3A_118 : memref<9216xf32, #tpu.memory_space<vmem_shared>>) dst(%dma_wait3A_117 : memref<9216xf32, #tpu.memory_space<hbm>>)
    return
  }
}

module attributes {stable_mosaic.version = 14 : i64} {
  func.func @body(%arg0: i32, %arg1: memref<15xf32, #tpu.memory_space<smem>>, %arg2: memref<8x2048xf32, #tpu.memory_space<vmem>>, %arg3: memref<3x2048xf32, #tpu.memory_space<vmem>>) attributes {dimension_semantics = [#tpu.dimension_semantics<arbitrary>], iteration_bounds = array<i64: 72>, scalar_prefetch = 0 : i64, scratch_operands = 0 : i64, tpu.core_type = #tpu.core_type<tc>, window_params = [{transform_indices = @transform_0, window_bounds = array<i64: 15>}, {transform_indices = @transform_1, window_bounds = array<i64: 8, 2048>}, {transform_indices = @transform_2, window_bounds = array<i64: 3, 2048>}]} {
    %get3A = arith.constant 0 : index
    %get3A_0 = arith.constant 0 : index
    %get3A_1 = vector.load %arg2[%get3A, %get3A_0] : memref<8x2048xf32, #tpu.memory_space<vmem>>, vector<1x2048xf32>
    %get3A_2 = arith.constant 4 : index
    %get3A_3 = arith.constant 0 : index
    %get3A_4 = vector.load %arg2[%get3A_2, %get3A_3] : memref<8x2048xf32, #tpu.memory_space<vmem>>, vector<1x2048xf32>
    %add3A = arith.addf %get3A_1, %get3A_4 : vector<1x2048xf32>
    %get3A_5 = arith.constant 1 : index
    %get3A_6 = arith.constant 0 : index
    %get3A_7 = vector.load %arg2[%get3A_5, %get3A_6] : memref<8x2048xf32, #tpu.memory_space<vmem>>, vector<1x2048xf32>
    %get3A_8 = arith.constant 5 : index
    %get3A_9 = arith.constant 0 : index
    %get3A_10 = vector.load %arg2[%get3A_8, %get3A_9] : memref<8x2048xf32, #tpu.memory_space<vmem>>, vector<1x2048xf32>
    %add3A_11 = arith.addf %get3A_7, %get3A_10 : vector<1x2048xf32>
    %get3A_12 = arith.constant 2 : index
    %get3A_13 = arith.constant 0 : index
    %get3A_14 = vector.load %arg2[%get3A_12, %get3A_13] : memref<8x2048xf32, #tpu.memory_space<vmem>>, vector<1x2048xf32>
    %get3A_15 = arith.constant 6 : index
    %get3A_16 = arith.constant 0 : index
    %get3A_17 = vector.load %arg2[%get3A_15, %get3A_16] : memref<8x2048xf32, #tpu.memory_space<vmem>>, vector<1x2048xf32>
    %add3A_18 = arith.addf %get3A_14, %get3A_17 : vector<1x2048xf32>
    %get3A_19 = arith.constant 3 : index
    %get3A_20 = arith.constant 0 : index
    %get3A_21 = vector.load %arg2[%get3A_19, %get3A_20] : memref<8x2048xf32, #tpu.memory_space<vmem>>, vector<1x2048xf32>
    %get3A_22 = arith.constant 7 : index
    %get3A_23 = arith.constant 0 : index
    %get3A_24 = vector.load %arg2[%get3A_22, %get3A_23] : memref<8x2048xf32, #tpu.memory_space<vmem>>, vector<1x2048xf32>
    %add3A_25 = arith.addf %get3A_21, %get3A_24 : vector<1x2048xf32>
    %add3A_26 = arith.constant 9.99999997E-7 : f32
    %add3A_27 = vector.broadcast %add3A_26 : f32 to vector<1x2048xf32>
    %add3A_28 = arith.addf %add3A_25, %add3A_27 : vector<1x2048xf32>
    %get3A_29 = arith.constant 0 : index
    %get3A_30 = memref.load %arg1[%get3A_29] : memref<15xf32, #tpu.memory_space<smem>>
    %mul3A = vector.broadcast %get3A_30 : f32 to vector<1x2048xf32>
    %mul3A_31 = arith.mulf %mul3A, %add3A : vector<1x2048xf32>
    %get3A_32 = arith.constant 1 : index
    %get3A_33 = memref.load %arg1[%get3A_32] : memref<15xf32, #tpu.memory_space<smem>>
    %mul3A_34 = vector.broadcast %get3A_33 : f32 to vector<1x2048xf32>
    %mul3A_35 = arith.mulf %mul3A_34, %add3A_11 : vector<1x2048xf32>
    %add3A_36 = arith.addf %mul3A_31, %mul3A_35 : vector<1x2048xf32>
    %get3A_37 = arith.constant 2 : index
    %get3A_38 = memref.load %arg1[%get3A_37] : memref<15xf32, #tpu.memory_space<smem>>
    %mul3A_39 = vector.broadcast %get3A_38 : f32 to vector<1x2048xf32>
    %mul3A_40 = arith.mulf %mul3A_39, %add3A_18 : vector<1x2048xf32>
    %add3A_41 = arith.addf %add3A_36, %mul3A_40 : vector<1x2048xf32>
    %get3A_42 = arith.constant 9 : index
    %get3A_43 = memref.load %arg1[%get3A_42] : memref<15xf32, #tpu.memory_space<smem>>
    %mul3A_44 = vector.broadcast %get3A_43 : f32 to vector<1x2048xf32>
    %mul3A_45 = arith.mulf %mul3A_44, %add3A_25 : vector<1x2048xf32>
    %add3A_46 = arith.addf %add3A_41, %mul3A_45 : vector<1x2048xf32>
    %div3A = arith.divf %add3A_46, %add3A_28 : vector<1x2048xf32>
    %get3A_47 = arith.constant 12 : index
    %get3A_48 = memref.load %arg1[%get3A_47] : memref<15xf32, #tpu.memory_space<smem>>
    %add3A_49 = vector.broadcast %get3A_48 : f32 to vector<1x2048xf32>
    %add3A_50 = arith.addf %div3A, %add3A_49 : vector<1x2048xf32>
    %get3A_51 = arith.constant 3 : index
    %get3A_52 = memref.load %arg1[%get3A_51] : memref<15xf32, #tpu.memory_space<smem>>
    %mul3A_53 = vector.broadcast %get3A_52 : f32 to vector<1x2048xf32>
    %mul3A_54 = arith.mulf %mul3A_53, %add3A : vector<1x2048xf32>
    %get3A_55 = arith.constant 4 : index
    %get3A_56 = memref.load %arg1[%get3A_55] : memref<15xf32, #tpu.memory_space<smem>>
    %mul3A_57 = vector.broadcast %get3A_56 : f32 to vector<1x2048xf32>
    %mul3A_58 = arith.mulf %mul3A_57, %add3A_11 : vector<1x2048xf32>
    %add3A_59 = arith.addf %mul3A_54, %mul3A_58 : vector<1x2048xf32>
    %get3A_60 = arith.constant 5 : index
    %get3A_61 = memref.load %arg1[%get3A_60] : memref<15xf32, #tpu.memory_space<smem>>
    %mul3A_62 = vector.broadcast %get3A_61 : f32 to vector<1x2048xf32>
    %mul3A_63 = arith.mulf %mul3A_62, %add3A_18 : vector<1x2048xf32>
    %add3A_64 = arith.addf %add3A_59, %mul3A_63 : vector<1x2048xf32>
    %get3A_65 = arith.constant 10 : index
    %get3A_66 = memref.load %arg1[%get3A_65] : memref<15xf32, #tpu.memory_space<smem>>
    %mul3A_67 = vector.broadcast %get3A_66 : f32 to vector<1x2048xf32>
    %mul3A_68 = arith.mulf %mul3A_67, %add3A_25 : vector<1x2048xf32>
    %add3A_69 = arith.addf %add3A_64, %mul3A_68 : vector<1x2048xf32>
    %div3A_70 = arith.divf %add3A_69, %add3A_28 : vector<1x2048xf32>
    %get3A_71 = arith.constant 13 : index
    %get3A_72 = memref.load %arg1[%get3A_71] : memref<15xf32, #tpu.memory_space<smem>>
    %add3A_73 = vector.broadcast %get3A_72 : f32 to vector<1x2048xf32>
    %add3A_74 = arith.addf %div3A_70, %add3A_73 : vector<1x2048xf32>
    %get3A_75 = arith.constant 6 : index
    %get3A_76 = memref.load %arg1[%get3A_75] : memref<15xf32, #tpu.memory_space<smem>>
    %mul3A_77 = vector.broadcast %get3A_76 : f32 to vector<1x2048xf32>
    %mul3A_78 = arith.mulf %mul3A_77, %add3A : vector<1x2048xf32>
    %get3A_79 = arith.constant 7 : index
    %get3A_80 = memref.load %arg1[%get3A_79] : memref<15xf32, #tpu.memory_space<smem>>
    %mul3A_81 = vector.broadcast %get3A_80 : f32 to vector<1x2048xf32>
    %mul3A_82 = arith.mulf %mul3A_81, %add3A_11 : vector<1x2048xf32>
    %add3A_83 = arith.addf %mul3A_78, %mul3A_82 : vector<1x2048xf32>
    %get3A_84 = arith.constant 8 : index
    %get3A_85 = memref.load %arg1[%get3A_84] : memref<15xf32, #tpu.memory_space<smem>>
    %mul3A_86 = vector.broadcast %get3A_85 : f32 to vector<1x2048xf32>
    %mul3A_87 = arith.mulf %mul3A_86, %add3A_18 : vector<1x2048xf32>
    %add3A_88 = arith.addf %add3A_83, %mul3A_87 : vector<1x2048xf32>
    %get3A_89 = arith.constant 11 : index
    %get3A_90 = memref.load %arg1[%get3A_89] : memref<15xf32, #tpu.memory_space<smem>>
    %mul3A_91 = vector.broadcast %get3A_90 : f32 to vector<1x2048xf32>
    %mul3A_92 = arith.mulf %mul3A_91, %add3A_25 : vector<1x2048xf32>
    %add3A_93 = arith.addf %add3A_88, %mul3A_92 : vector<1x2048xf32>
    %div3A_94 = arith.divf %add3A_93, %add3A_28 : vector<1x2048xf32>
    %get3A_95 = arith.constant 14 : index
    %get3A_96 = memref.load %arg1[%get3A_95] : memref<15xf32, #tpu.memory_space<smem>>
    %add3A_97 = vector.broadcast %get3A_96 : f32 to vector<1x2048xf32>
    %add3A_98 = arith.addf %div3A_94, %add3A_97 : vector<1x2048xf32>
    %concatenate3A = tpu.concatenate %add3A_50, %add3A_74, %add3A_98 in 0 : vector<1x2048xf32>, vector<1x2048xf32>, vector<1x2048xf32> -> vector<3x2048xf32>
    %swap3A = arith.constant 0 : index
    %swap3A_99 = arith.constant 0 : index
    %swap3A_100 = vector.load %arg3[%swap3A, %swap3A_99] : memref<3x2048xf32, #tpu.memory_space<vmem>>, vector<3x2048xf32>
    tpu.vector_store %arg3[%swap3A, %swap3A_99], %concatenate3A {strides = array<i32>} : memref<3x2048xf32, #tpu.memory_space<vmem>>, vector<3x2048xf32>,
    return
  }
  func.func @transform_0(%arg0: i32) -> i32 {
    %c0_i32 = arith.constant 0 : i32
    %c0_i32_0 = arith.constant 0 : i32
    return %c0_i32 : i32
  }
  func.func @transform_1(%arg0: i32) -> (i32, i32) {
    %c0_i32 = arith.constant 0 : i32
    %c0_i32_0 = arith.constant 0 : i32
    return %c0_i32, %arg0 : i32, i32
  }
  func.func @transform_2(%arg0: i32) -> (i32, i32) {
    %c0_i32 = arith.constant 0 : i32
    %c0_i32_0 = arith.constant 0 : i32
    return %c0_i32, %arg0 : i32, i32
  }
}

</mosaic_0001>

<sc_bundles>
// kernel: kernel.4.cloned.1.call-start
scs
__scs_entry_jumppad:
0x0: {  	(pc) =	sbr.rel $0x88, $3  }
0x1: {  	(tag) =	ssettag $0x0;
	lr =	simm.s32 $0x1  }
0x2: {  	[smem:$0x3F98] =	sst lr;
	_ =	strace $0xD0000000  }
0x3: {  	_ = 	snop  }
0x4: {  	_ = 	snop  }
0x5: {  	_ = 	snop  }
0x6: {  	_ = 	snop  }
0x7: {  	_ = 	snop  }
__scs_overlays_trampoline_lowered:
0x8: {  	[smem:$0x3FA7] =	sst s0  }
0x9: {  	[smem:$0x3FA8] =	sst s1  }
0xa: {  	[smem:$0x3FA9] =	sst s2  }
0xb: {  	[smem:$0x3FAA] =	sst s3  }
0xc: {  	[smem:$0x3FAB] =	sst s4  }
0xd: {  	[smem:$0x3FAC] =	sst s5  }
0xe: {  	[smem:$0x3FAD] =	sst s6  }
0xf: {  	[smem:$0x3FAE] =	sst s7  }
0x10: {  	[smem:$0x3FAF] =	sst s8  }
0x11: {  	[smem:$0x3FB0] =	sst s9;
	s0 =	simm.s32 @!p0 $0x0  }
0x12: {  	s1 =	sld [smem:$0x3F96];
	s0 =	simm.s32 @p0 $0x1  }
0x13: {  	[smem:$0x3FB1] =	sst s0;
	s0 =	simm.s32 @!p1 $0x0  }
0x14: {  	s2 =	sld [smem:$0x3F95];
	s0 =	simm.s32 @p1 $0x1  }
0x15: {  	[smem:$0x3FB2] =	sst s0;
	s0 =	simm.s32 @!p2 $0x0  }
0x16: {  	s3 =	sld [smem:$0x3FDB];
	s0 =	simm.s32 @p2 $0x1  }
0x17: {  	s4 =	simm.s32 $0x1BF5;
	[smem:$0x3FB4] =	sst s0  }
0x18: {  	s0 =	sld [smem:$0x3F97];
	_ =	swait.ge [sflag:s4], $0x0  }
0x19: {  	s7 =	sld [smem:$0x3F98]  }
0x1a: {  	s8 =	sadd.s32 $0xFFFFE003, lr  }
0x1b: {  	s9 =	sadd.s32 $0xFFFFFEF7, lr;
	s5 =	simm.s32 $0xFFFFFFFF;
	p2 =	slt.u32 s8, $0xFFFFF086  }
0x1c: {  	p1 =	slt.u32 s9, $0xF7A;
	s5 =	simm.s32 @!p2 $0x0  }
0x1d: {  	s5 =	simm.s32 @p1 $0x1;
	p0 =	seq.s32 s7, s2  }
0x1e: {  	s7 =	smul.u32 @!p0 $0xF7A, s2;
	p2 =	seq.s32 @!p0 s5, $0x0  }
0x1f: {  	s9 =	smul.u32 $0xF7A, s1;
	s8 =	simm.s32 @!p0 $0x1BF5;
	p2 =	por !p2, p0  }
0x20: {  	[sflag:s8] =	ssyncset.s32 @!p0 $0xFFFFF086;
	s6 =	sadd.s32 @!p0 s3, s7;
	s7 =	simm.s32 @!p0 $0x108  }
0x21: {  	s3 =	sadd.s32 s3, s9;
	s6 =	sadd.s32 @!p0 $0x88, s6;
	s7 =	simm.s32 @p2 $0x1082  }
0x22: {  	[simem:s7], [sflag:s8] =	dma.local @!p0 [hbm:s6], $0xF7A  }
0x23: {  	s9 =	sor.u32 $0xD0000000, s2;
	s6 =	simm.s32 $0x108;
	_ =	swait.ge @!p0 [sflag:s8], $0x0  }
0x24: {  	s3 =	sadd.s32 $0x88, s3;
	s6 =	simm.s32 @!p1 $0x1082;
	[sflag:s4] =	ssyncset.s32 $0xFFFFF086  }
0x25: {  	[simem:s6], [sflag:s4] =	dma.local [hbm:s3], $0xF7A  }
0x26: {  	[smem:$0x3F98] =	sst s1;
	(tag) =	ssettag s2;
	_ =	strace s9  }
0x27: {  	s1 =	sld [smem:$0x3FA8]  }
0x28: {  	s2 =	sld [smem:$0x3FA9]  }
0x29: {  	s4 =	sld [smem:$0x3FAB]  }
0x2a: {  	p0 =	seq.s32 s5, $0x0;
	s5 =	sld [smem:$0x3FAC]  }
0x2b: {  	s6 =	sld [smem:$0x3FAD]  }
0x2c: {  	s7 =	sld [smem:$0x3FAE]  }
0x2d: {  	s3 =	simm.s32 $0x108;
	s8 =	sld [smem:$0x3FAF]  }
0x2e: {  	s3 =	simm.s32 @!p0 $0x1082;
	s9 =	sld [smem:$0x3FB0]  }
0x2f: {  	lr =	sadd.s32 s0, s3;
	s0 =	sld [smem:$0x3FA7]  }
0x30: {  	s3 =	sld [smem:$0x3FAA]  }
0x31: {  	[smem:$0x3FB3] =	sst s10  }
0x32: {  	s10 =	sld [smem:$0x3FB1];
	_ =	sdelay $0x3  }
0x33: {  	p0 =	seq.s32 s10, $0x1;
	s10 =	sld [smem:$0x3FB3];
	_ =	sdelay $0x3  }
0x34: {  	[smem:$0x3FB3] =	sst s10  }
0x35: {  	s10 =	sld [smem:$0x3FB2];
	_ =	sdelay $0x3  }
0x36: {  	p1 =	seq.s32 s10, $0x1;
	s10 =	sld [smem:$0x3FB3];
	_ =	sdelay $0x3  }
0x37: {  	[smem:$0x3FB3] =	sst s10  }
0x38: {  	s10 =	sld [smem:$0x3FB4]  }
0x39: {  	_ = 	snop;
	(pc) =	sbr.ind lr, $3  }
0x3a: {  	_ = 	snop  }
0x3b: {  	_ = 	snop  }
0x3c: {  	p2 =	seq.s32 s10, $0x1;
	s10 =	sld [smem:$0x3FB3]  }
0x3d: {  	_ =	shalt  }
0x3e: {  	_ =	shalt  }
0x3f: {  	_ =	shalt  }
0x40: {  	_ =	shalt  }
0x41: {  	_ =	shalt  }
0x42: {  	_ =	shalt  }
0x43: {  	_ =	shalt  }
0x44: {  	_ =	shalt  }
0x45: {  	_ =	shalt  }
0x46: {  	_ =	shalt  }
0x47: {  	_ =	shalt  }
0x48: {  	_ =	shalt  }
0x49: {  	_ =	shalt  }
0x4a: {  	_ =	shalt  }
0x4b: {  	_ =	shalt  }
0x4c: {  	_ =	shalt  }
0x4d: {  	_ =	shalt  }
0x4e: {  	_ =	shalt  }
0x4f: {  	_ =	shalt  }
0x50: {  	_ =	shalt  }
0x51: {  	_ =	shalt  }
0x52: {  	_ =	shalt  }
0x53: {  	_ =	shalt  }
0x54: {  	_ =	shalt  }
0x55: {  	_ =	shalt  }
0x56: {  	_ =	shalt  }
0x57: {  	_ =	shalt  }
0x58: {  	_ =	shalt  }
0x59: {  	_ =	shalt  }
0x5a: {  	_ =	shalt  }
0x5b: {  	_ =	shalt  }
0x5c: {  	_ =	shalt  }
0x5d: {  	_ =	shalt  }
0x5e: {  	_ =	shalt  }
0x5f: {  	_ =	shalt  }
0x60: {  	_ =	shalt  }
0x61: {  	_ =	shalt  }
0x62: {  	_ =	shalt  }
0x63: {  	_ =	shalt  }
0x64: {  	_ =	shalt  }
0x65: {  	_ =	shalt  }
0x66: {  	_ =	shalt  }
0x67: {  	_ =	shalt  }
0x68: {  	_ =	shalt  }
0x69: {  	_ =	shalt  }
0x6a: {  	_ =	shalt  }
0x6b: {  	_ =	shalt  }
0x6c: {  	_ =	shalt  }
0x6d: {  	_ =	shalt  }
0x6e: {  	_ =	shalt  }
0x6f: {  	_ =	shalt  }
0x70: {  	_ =	shalt  }
0x71: {  	_ =	shalt  }
0x72: {  	_ =	shalt  }
0x73: {  	_ =	shalt  }
0x74: {  	_ =	shalt  }
0x75: {  	_ =	shalt  }
0x76: {  	_ =	shalt  }
0x77: {  	_ =	shalt  }
0x78: {  	_ =	shalt  }
0x79: {  	_ =	shalt  }
0x7a: {  	_ =	shalt  }
0x7b: {  	_ =	shalt  }
0x7c: {  	_ =	shalt  }
0x7d: {  	_ =	shalt  }
0x7e: {  	_ =	shalt  }
0x7f: {  	_ =	shalt  }
0x80: {  	_ =	shalt  }
0x81: {  	_ =	shalt  }
0x82: {  	_ =	shalt  }
0x83: {  	_ =	shalt  }
0x84: {  	_ =	shalt  }
0x85: {  	_ =	shalt  }
0x86: {  	_ =	shalt  }
0x87: {  	_ =	shalt  }
.Lfunc_end0:
.L_simem_size_0:
called_computation_lowered:
.L_overlay_start_0:
0x88: {  	s2 =	sld [smem:$0x3FD9]  }
0x89: {  	s3 =	sld [smem:$0x3FFE];
	_ =	sdelay $0x1  }
0x8a: {  	s1 =	srdreg.scid  }
0x8b: {  	s0 =	sand.u32 $0x1, s1  }
0x8c: {  	s17 =	sshll.u32 s0, $0xA;
	s2 =	sadd.s32 s3, s2  }
0x8d: {  	s2 =	sadd.s32 s2, s17  }
0x8e: {  	[smem:$0x3FBF] =	sst s2  }
0x8f: {  	_ = 	snop  }
0x90: {  	s2 =	sld [smem:$0x3FD0];
	(tm) =	ssettm $0x1  }
0x91: {  	s18 =	sld [smem:$0x3FFB];
	_ =	sdelay $0x3  }
0x92: {  	_ =	strace s18  }
0x93: {  	s3 =	sld [smem:$0x3FFC];
	_ =	sdelay $0x3  }
0x94: {  	_ =	strace s3  }
0x95: {  	s3 =	sld [smem:$0x3FFD];
	_ =	sdelay $0x3  }
0x96: {  	_ =	strace s3  }
0x97: {  	_ =	strace $0x8FFFFFFF  }
0x98: {  	s19 =	sld [smem:$0x3FDB];
	_ =	sdelay $0x1  }
0x99: {  	s4 =	simm.s32 $_scs_section_size  }
0x9a: {  	s5 =	simm.s32 $_size__tile_overlayer_lowered;
	s6 =	simm.s32 $_tile_overlayer_lowered  }
0x9b: {  	s22 =	simm.s32 $0x1BFF;
	s21 =	sshll.u32 s6, $0x1;
	s3 =	sadd.s32 s4, s19  }
0x9c: {  	s7 =	simm.s32 $0x0;
	s20 =	sshll.u32 s5, $0x1;
	s5 =	sadd.s32 s21, s3  }
0x9d: {  	[timem:s7], [sflag:s22] =	dma.local [hbm:s5], s20  }
0x9e: {  	_ =	swait.ge [sflag:s22], s20  }
0x9f: {  	s4 =	ssub.s32 $0x0, s20;
	[sflag:s22] =	ssyncset.done $0x0  }
0xa0: {  	[sflag:s22] =	ssyncadd.s32 s4;
	_ =	sdelay $0x1  }
0xa1: {  	s23 =	simm.s32 $0x1B8B  }
0xa2: {  	_ =	swait.ge [sflag:s23], $0x1  }
0xa3: {  	[sflag:s23] =	ssyncset.done $0x0  }
0xa4: {  	s25 =	simm.s32 $0x1B8E;
	s24 =	sld [smem:$0x3FFE];
	[sflag:s23] =	ssyncadd.s32 $0xFFFFFFFF  }
0xa5: {  	s26 =	simm.s32 $execute0_lowered;
	[smem:$0x3FD2] =	sst s25  }
0xa6: {  	s5 =	sshll.u32 s26, $0x1;
	_ =	strace $0x80000046;
	[dreg:$0x1] =	wrdreg $0xFFFFFFFF  }
0xa7: {  	s28 =	simm.s32 $_size_execute0_lowered;
	s3 =	sadd.s32 s3, s5;
	[dreg:$0x0] =	wrdreg $0x0  }
0xa8: {  	s5 =	sshll.u32 s28, $0x1;
	[dreg:$0x2] =	wrdreg s3  }
0xa9: {  	[dreg:$0x3] =	wrdreg s5  }
0xaa: {  	[dreg:$0x4] =	wrdreg $0xC0  }
0xab: {  	_ =	task [dreg:s7], $0x5FFFF  }
0xac: {  	[dreg:$0x1] =	wrdreg $0xFFFFFFFF  }
0xad: {  	[dreg:$0x0] =	wrdreg $0x60  }
0xae: {  	[dreg:$0x2] =	wrdreg s2  }
0xaf: {  	[dreg:$0x3] =	wrdreg s24  }
0xb0: {  	[dreg:$0x4] =	wrdreg $0xD8000  }
0xb1: {  	[dreg:$0x5] =	wrdreg $0xFE000  }
0xb2: {  	[dreg:$0x6] =	wrdreg $0x124000  }
0xb3: {  	[dreg:$0x7] =	wrdreg $0x14A000  }
0xb4: {  	[dreg:$0x8] =	wrdreg $0x9  }
0xb5: {  	_ =	task.clear_ibuf [dreg:s7], $0x9FFFF;
	_ =	strace $0x90000046  }
0xb6: {  	s29 =	simm.s32 $0x9;
	_ =	strace $0x80000048  }
0xb7: {  	_ =	swait.ge [sflag:s29], $0x1  }
0xb8: {  	[sflag:s29] =	ssyncadd.s32 $0xFFFFFFFF  }
0xb9: {  	_ =	strace $0x90000048  }
0xba: {  	_ =	sfence  }
0xbb: {  	s30 =	sld [smem:$0x0];
	_ =	sdelay $0x2  }
0xbc: {  	s31 =	sshll.u32 s1, $0xD;
	s1 =	sshrl.u32 s1, $0x2  }
0xbd: {  	s3 =	sand.u32 $0x4000, s31;
	s1 =	sadd.s32 s1, s30  }
0xbe: {  	s0 =	sor.u32 s3, s0;
	s1 =	sshll.u32 s1, $0x11  }
0xbf: {  	s0 =	sor.u32 s1, s0  }
0xc0: {  	s0 =	sadd.s32 $0x8F2B, s0  }
0xc1: {  	[sflag:s0] =	ssyncadd.remote.s32 $0x1  }
0xc2: {  	_ =	sfence.sel $0xFFFF  }
0xc3: {  	[dreg:$0x0] =	wrdreg $0xFFFFFFFF;
	(pc) =	sbr.abs _section_cstart, $3  }
0xc4: {  	[dreg:$0x1] =	wrdreg $0xFFFFFFFF  }
0xc5: {  	_ =	task.clear_ibuf [dreg:s7], $0x2FFFF;
	_ =	strace $0x9FFFFFFF  }
0xc6: {  	(tm) =	ssettm $0x7FFFFFFF  }
0xc7: {  	_ =	shalt  }
tec
execute0_lowered:
.L_overlay_start_1:
0x0: {  	(tag) =	ssettag $0x1  }
0x1: {  	s1 =	rddreg [dreg:$0x0]  }
0x2: {  	s3 =	rddreg [dreg:$0x1]  }
0x3: {  	s2 =	rddreg [dreg:$0x2]  }
0x4: {  	s14 =	rddreg [dreg:$0x3];
	s5 =	srdreg.scid  }
0x5: {  	s0 =	stileid.u32;
	s16 =	rddreg [dreg:$0x4]  }
0x6: {  	s17 =	rddreg [dreg:$0x5];
	s6 =	simm.s32 $0x0;
	s21 =	simm.s32 $0xB400  }
0x7: {  	s22 =	simm.s32 $0x2400;
	s23 =	simm.s32 $0x4800;
	s24 =	simm.s32 $0x6C00  }
0x8: {  	s25 =	simm.s32 $0x9000;
	s28 =	simm.s32 $0x1;
	s29 =	simm.s32 $0x3  }
0x9: {  	s30 =	simm.s32 $0x4;
	s7 =	sand.u32 $0x1, s5;
	s10 =	smul.u32 $0x2400, s0  }
0xa: {  	s31 =	simm.s32 $0x0;
	[smem:$0x7FF] =	sst s6;
	s8 =	smul.u32 $0x24000, s7  }
0xb: {  	s0 =	smov.u32 s14;
	s5 =	smov.u32 s16;
	s9 =	smul.u32 $0x6C000, s7  }
0xc: {  	s4 =	smov.u32 s17;
	s26 =	smul.u32 $0x90000, s7;
	s7 =	ssub.s32 $0x2, s7  }
0xd: {  	_ =	strace $0x80000047;
	s13 =	sshrl.u32 s7, $0x1;
	s8 =	sadd.s32 s10, s8  }
0xe: {  	s9 =	sadd.s32 s10, s9;
	s20 =	ssub.s32 s7, s13;
	s7 =	sadd.s32 s10, s2  }
0xf: {  	s11 =	sshrl.u32 s8, $0x3;
	s8 =	sadd.s32 s10, s26;
	s9 =	sshrl.u32 s9, $0x3  }
0x10: {  	s20 =	smax.u32 s20, $0x1;
	s26 =	simm.s32 $0x2;
	s12 =	sadd.s32 s11, s3  }
0x11: {  	s8 =	sshrl.u32 s8, $0x3;
	s15 =	sadd.s32 s9, s3;
	s9 =	sadd.s32 s10, s16  }
0x12: {  	s11 =	sadd.s32 s1, s11;
	s3 =	sadd.s32 s8, s3;
	s8 =	sadd.s32 s10, s14  }
0x13: {  	s10 =	sadd.s32 s10, s17;
	s12 =	sadd.s32 $0x2200, s12;
	s13 =	sadd.s32 $0xB200, s15  }
0x14: {  	s14 =	sadd.s32 $0xFA00, s15;
	s15 =	sadd.s32 $0x14200, s15;
	s16 =	sadd.s32 $0x26200, s3  }
0x15: {  	v0 =	vimm.f32 $0.0e+00;
	s17 =	sadd.s32 $0x2AA00, s3;
	s18 =	sadd.s32 $0x2F200, s3;
	s19 =	sadd.s32 $0x33A00, s3  }
.LBB2_1:
0x16: {  	s1 =	simm.s32 $0x40;
	s3 =	simm.s32 $0x0  }
.LBB2_2:
0x17: {  	p0 =	sne.s32 s1, $0x8FC0;
	[tilespmem:s3+$0xB400] =	vst v0;
	s3 =	smov.u32 s1;
	s1 =	sadd.s32 $0x40, s1  }
.Ltmp0:
0x18: {  	(pc) =	sbr.rel @p0 .LBB2_2-.Ltmp0, $2  }
0x19: {  	_ =	sdelay $0x2  }
0x1a: {  	s3 =	sshra.s32 s3, $0x2  }
0x1b: {  	[tilespmem:s3+$0xB400] =	vst v0  }
0x1c: {  	[spmem:s7] =	stream.linear.scatter [tilespmem:s21], [sflag:$0x1], $0x2400, $0x38;
	[tilespmem:$0x17000] =	vst v63  }
0x1d: {  	_ = 	snop  }
0x1e: {  	[spmem:s8] =	stream.linear.scatter [tilespmem:s21], [sflag:$0x1], $0x2400, $0x38;
	[tilespmem:$0x17000] =	vst v63  }
0x1f: {  	_ = 	snop  }
0x20: {  	[spmem:s9] =	stream.linear.scatter [tilespmem:s21], [sflag:$0x1], $0x2400, $0x38;
	[tilespmem:$0x17000] =	vst v63  }
0x21: {  	_ = 	snop  }
0x22: {  	[spmem:s10] =	stream.linear.scatter [tilespmem:s21], [sflag:$0x1], $0x2400, $0x38;
	[tilespmem:$0x17000] =	vst v63  }
0x23: {  	s1 =	simm.s32 $0x0  }
0x24: {  	[tilespmem:s1], [sflag:$0x2] =	stream.linear.gather [hbm4b:s11+s1], $0x2400, $0x38;
	[tilespmem:$0x17000] =	vst v63  }
0x25: {  	_ = 	snop  }
0x26: {  	[tilespmem:s22], [sflag:$0x2] =	stream.linear.gather [hbm4b:s12+s1], $0x2400, $0x38;
	[tilespmem:$0x17000] =	vst v63  }
0x27: {  	_ = 	snop  }
0x28: {  	[tilespmem:s23], [sflag:$0x2] =	stream.linear.gather [hbm4b:s13+s1], $0x2400, $0x38;
	[tilespmem:$0x17000] =	vst v63  }
0x29: {  	_ = 	snop  }
0x2a: {  	[tilespmem:s24], [sflag:$0x2] =	stream.linear.gather [hbm4b:s14+s1], $0x2400, $0x38;
	[tilespmem:$0x17000] =	vst v63  }
0x2b: {  	_ = 	snop  }
0x2c: {  	[tilespmem:s25], [sflag:$0x2] =	stream.linear.gather [hbm4b:s15+s1], $0x2400, $0x38;
	[tilespmem:$0x17000] =	vst v63  }
0x2d: {  	_ =	swait.ge [sflag:s26], $0x2400  }
0x2e: {  	[sflag:s26] =	ssyncset.done $0x0  }
0x2f: {  	[sflag:s26] =	ssyncadd.s32 $0xFFFFDC00  }
0x30: {  	_ =	swait.ge [sflag:s26], $0x2400  }
0x31: {  	[sflag:s26] =	ssyncset.done $0x0  }
0x32: {  	[sflag:s26] =	ssyncadd.s32 $0xFFFFDC00  }
0x33: {  	_ =	swait.ge [sflag:s26], $0x2400  }
0x34: {  	[sflag:s26] =	ssyncset.done $0x0  }
0x35: {  	[sflag:s26] =	ssyncadd.s32 $0xFFFFDC00  }
0x36: {  	_ =	swait.ge [sflag:s26], $0x2400  }
0x37: {  	[sflag:s26] =	ssyncset.done $0x0  }
0x38: {  	[sflag:s26] =	ssyncadd.s32 $0xFFFFDC00  }
0x39: {  	_ =	swait.ge [sflag:s26], $0x2400  }
0x3a: {  	[sflag:s26] =	ssyncset.done $0x0  }
0x3b: {  	s3 =	simm.s32 $0x0;
	[sflag:s26] =	ssyncadd.s32 $0xFFFFDC00  }
0x3c: {  	v1 =	vld [tilespmem:s3+$0x2400]  }
0x3d: {  	v2 =	vld [tilespmem:s3+$0x4800]  }
0x3e: {  	s1 =	simm.s32 $0x40;
	v3 =	vld [tilespmem:s3+$0x6C00]  }
.LBB2_4:
0x3f: {  	p0 =	sne.s32 s1, $0x8FC0;
	v4 =	vld [tilespmem:s3+$0x9000];
	_ =	sdelay $0x2  }
.Ltmp1:
0x40: {  	v2 =	vmul.f32 v2, v1;
	(pc) =	sbr.rel @p0 .LBB2_4-.Ltmp1, $4  }
0x41: {  	s2 =	sshra.s32 s1, $0x2;
	v3 =	vmul.f32 v3, v1  }
0x42: {  	[tilespmem:s3+$0x4800] =	vst v2;
	v4 =	vmul.f32 v4, v1;
	v1 =	vld [tilespmem:s2+$0x2400]  }
0x43: {  	v2 =	vld [tilespmem:s2+$0x4800];
	[tilespmem:s3+$0x6C00] =	vst v3  }
0x44: {  	s1 =	sadd.s32 $0x40, s1;
	v3 =	vld [tilespmem:s2+$0x6C00];
	[tilespmem:s3+$0x9000] =	vst v4;
	s3 =	smov.u32 s2  }
0x45: {  	v4 =	vld [tilespmem:s3+$0x9000];
	_ =	sdelay $0x2  }
0x46: {  	v2 =	vmul.f32 v2, v1  }
0x47: {  	v3 =	vmul.f32 v3, v1  }
0x48: {  	[tilespmem:s3+$0x4800] =	vst v2;
	v1 =	vmul.f32 v4, v1  }
0x49: {  	[tilespmem:s3+$0x6C00] =	vst v3  }
0x4a: {  	[tilespmem:s3+$0x9000] =	vst v1  }
0x4b: {  	_ =	swait.ge [sflag:s28], $0x2400  }
0x4c: {  	[sflag:s28] =	ssyncset.done $0x0  }
0x4d: {  	[sflag:s28] =	ssyncadd.s32 $0xFFFFDC00  }
0x4e: {  	_ =	swait.ge [sflag:s28], $0x2400  }
0x4f: {  	[sflag:s28] =	ssyncset.done $0x0  }
0x50: {  	[sflag:s28] =	ssyncadd.s32 $0xFFFFDC00  }
0x51: {  	_ =	swait.ge [sflag:s28], $0x2400  }
0x52: {  	[sflag:s28] =	ssyncset.done $0x0  }
0x53: {  	[sflag:s28] =	ssyncadd.s32 $0xFFFFDC00  }
0x54: {  	_ =	swait.ge [sflag:s28], $0x2400  }
0x55: {  	[sflag:s28] =	ssyncset.done $0x0  }
0x56: {  	[sflag:s28] =	ssyncadd.s32 $0xFFFFDC00  }
0x57: {  	[bflag:$0x0] =	sbarrier.arrive $0xFFFF  }
0x58: {  	s1 =	rddreg [dreg:$0x2]  }
0x59: {  	[spmem:s1] =	stream.indirect.scatter.add.f32 [tilespmem:s23], [sflag:$0x3], $0x1, s6, s22, $0xb8;
	[tilespmem:$0x17000] =	vst v63  }
0x5a: {  	_ = 	snop  }
0x5b: {  	[spmem:s0] =	stream.indirect.scatter.add.f32 [tilespmem:s24], [sflag:$0x3], $0x1, s6, s22, $0xb8;
	[tilespmem:$0x17000] =	vst v63  }
0x5c: {  	_ = 	snop  }
0x5d: {  	[spmem:s5] =	stream.indirect.scatter.add.f32 [tilespmem:s25], [sflag:$0x3], $0x1, s6, s22, $0xb8;
	[tilespmem:$0x17000] =	vst v63  }
0x5e: {  	_ = 	snop  }
0x5f: {  	[spmem:s4] =	stream.indirect.scatter.add.f32 [tilespmem:s22], [sflag:$0x3], $0x1, s6, s22, $0xb8;
	[tilespmem:$0x17000] =	vst v63  }
0x60: {  	_ =	swait.ge [sflag:s29], $0x2400  }
0x61: {  	[sflag:s29] =	ssyncset.done $0x0  }
0x62: {  	[sflag:s29] =	ssyncadd.s32 $0xFFFFDC00  }
0x63: {  	_ =	swait.ge [sflag:s29], $0x2400  }
0x64: {  	[sflag:s29] =	ssyncset.done $0x0  }
0x65: {  	[sflag:s29] =	ssyncadd.s32 $0xFFFFDC00  }
0x66: {  	_ =	swait.ge [sflag:s29], $0x2400  }
0x67: {  	[sflag:s29] =	ssyncset.done $0x0  }
0x68: {  	[sflag:s29] =	ssyncadd.s32 $0xFFFFDC00  }
0x69: {  	_ =	swait.ge [sflag:s29], $0x2400  }
0x6a: {  	s2 =	stileid.u32;
	[sflag:s29] =	ssyncset.done $0x0  }
0x6b: {  	s3 =	sshrl.u32 s8, $0x3;
	s1 =	sshll.u32 s2, $0x6;
	[sflag:s29] =	ssyncadd.s32 $0xFFFFDC00  }
0x6c: {  	s2 =	sshrl.u32 s7, $0x3;
	s1 =	sor.u32 $0x1C04, s1;
	[bflag:$0x0] =	sbarrier.arrive $0xFFFF  }
0x6d: {  	[hbm:s16], [sflag:s1] =	dma.local [spmem:s2], $0x480  }
0x6e: {  	[hbm:s17], [sflag:s1] =	dma.local [spmem:s3], $0x480  }
0x6f: {  	s3 =	sshrl.u32 s9, $0x3  }
0x70: {  	[hbm:s18], [sflag:s1] =	dma.local [spmem:s3], $0x480  }
0x71: {  	s3 =	sshrl.u32 s10, $0x3  }
0x72: {  	[hbm:s19], [sflag:s1] =	dma.local [spmem:s3], $0x480  }
0x73: {  	_ =	swait.ge [sflag:s30], $0x480  }
0x74: {  	[sflag:s30] =	ssyncset.done $0x0  }
0x75: {  	[sflag:s30] =	ssyncadd.s32 $0xFFFFFB80  }
0x76: {  	_ =	swait.ge [sflag:s30], $0x480  }
0x77: {  	[sflag:s30] =	ssyncset.done $0x0  }
0x78: {  	s31 =	sadd.s32 $0x1, s31;
	[sflag:s30] =	ssyncadd.s32 $0xFFFFFB80  }
0x79: {  	p0 =	sne.s32 s31, s20;
	_ =	swait.ge [sflag:s30], $0x480  }
.Ltmp2:
0x7a: {  	[sflag:s30] =	ssyncset.done $0x0;
	(pc) =	sbr.rel @p0 .LBB2_1-.Ltmp2, $4  }
0x7b: {  	[sflag:s30] =	ssyncadd.s32 $0xFFFFFB80  }
0x7c: {  	_ =	swait.ge [sflag:s30], $0x480  }
0x7d: {  	[sflag:s30] =	ssyncset.done $0x0  }
0x7e: {  	[sflag:s30] =	ssyncadd.s32 $0xFFFFFB80  }
0x7f: {  	_ =	sfence.sel $0x180000  }
0x80: {  	[bflag:$0x0] =	sbarrier.arrive $0xFFFF  }
0x81: {  	_ =	strace $0x90000047  }
0x82: {  	s0 =	stileid.u32;
	[bflag:$0x2] =	sbarrier.arrive $0xFFFF  }
0x83: {  	p0 =	sne.s32 s0, $0x0;
	s0 =	rddreg [dreg:$0x6]  }
0x84: {  	s0 =	sadd.s32 @!p0 $0x100000, s0  }
0x85: {  	[sflag:s0] =	ssyncadd.tile.s32 @!p0 $0x1;
	_ =	shalt  }
.Lfunc_end2:
_tile_overlayer_lowered:
.L_overlay_start_2:
0x86: {  	(tag) =	ssettag $0x2  }
0x87: {  	s0 =	rddreg [dreg:$0x0];
	s2 =	stileid.u32  }
0x88: {  	s1 =	rddreg [dreg:$0x1];
	p0 =	sne.s32 s2, $0x0  }
0x89: {  	s3 =	rddreg [dreg:$0x2];
	[bflag:$0x3] =	sbarrier.arrive $0xFFFF;
	s2 =	simm.s32 @!p0 $0x1C05  }
0x8a: {  	[timem:s3], [sflag:s2] =	dma.local @!p0 [hbm:s0], s1  }
0x8b: {  	s0 =	simm.s32 @!p0 $0x5  }
0x8c: {  	_ =	swait.ge @!p0 [sflag:s0], s1  }
0x8d: {  	s1 =	ssub.s32 @!p0 $0x0, s1;
	[sflag:s0] =	ssyncset.done @!p0 $0x0  }
0x8e: {  	[sflag:s0] =	ssyncadd.s32 @!p0 s1  }
0x8f: {  	[bflag:$0x3] =	sbarrier.arrive $0xFFFF  }
0x90: {  	_ =	shalt  }

</sc_bundles>
